<compile_context>
chip_gen: v7x
topology: tpu7x:2x2x1
jax: 0.10.2.dev20260603
libtpu: 0.0.44.dev20260713+nightly
codegen_flags: <defaults>
</compile_context>

<pallas_src>
import functools
import math

import jax
import jax.numpy as jnp
import numpy as np
from jax import lax
from jax.experimental import pallas as pl
from jax.experimental.pallas import tpu as pltpu
from jax.experimental.pallas import tpu_sc as plsc

NUM_BUCKETS = 32
RP_MAX_DISTANCE = 128
HEADS = 16
RP_SCALE = 0.125
SEQ_LEN = 2048
EXT2 = 6400
BLOCK_R = 512
NC, NS = 2, 16
NW = NC * NS
QS = EXT2 // NW


def _bucket_table() -> np.ndarray:
    q = np.arange(EXT2, dtype=np.int64)
    n = np.maximum(SEQ_LEN - q, 0).astype(np.int64)
    max_exact = NUM_BUCKETS // 2
    nf = np.maximum(n, 1).astype(np.float64)
    val_if_large = max_exact + (
        np.log(nf / max_exact) / math.log(RP_MAX_DISTANCE / max_exact)
        * (NUM_BUCKETS - max_exact)
    ).astype(np.int64)
    val_if_large = np.minimum(val_if_large, NUM_BUCKETS - 1)
    return np.where(n < max_exact, n, val_if_large).astype(np.int32)


_BUCKET = _bucket_table()

_SC_MESH = plsc.VectorSubcoreMesh(core_axis_name="c", subcore_axis_name="s")


@functools.partial(
    pl.kernel,
    mesh=_SC_MESH,
    out_type=jax.ShapeDtypeStruct((EXT2, HEADS), jnp.float32),
    compiler_params=pltpu.CompilerParams(use_tc_tiling_on_sc=False),
    scratch_types=[
        pltpu.VMEM((QS,), jnp.int32),
        pltpu.VMEM((QS, HEADS), jnp.float32),
        pltpu.SemaphoreType.DMA,
    ],
)
def _sc_gather(idx_hbm, tab_hbm, ext_hbm, idx_v, rows_v, sem):
    wid = lax.axis_index("s") * NC + lax.axis_index("c")
    base = wid * QS
    pltpu.sync_copy(idx_hbm.at[pl.ds(base, QS)], idx_v)
    pltpu.async_copy(tab_hbm.at[idx_v], rows_v, sem)
    pltpu.make_async_copy(tab_hbm.at[idx_v], rows_v, sem).wait()
    pltpu.sync_copy(rows_v, ext_hbm.at[pl.ds(base, QS)])


def _tc_body(ext_qm_ref, out_ref, ext_ref, p_ref):
    h = pl.program_id(0)
    ib = pl.program_id(1)

    @pl.when(jnp.logical_and(h == 0, ib == 0))
    def _init():
        ext_ref[...] = jnp.transpose(ext_qm_ref[...], (1, 0)) * RP_SCALE

    @pl.when(ib == 0)
    def _per_head():
        ext_b = jnp.broadcast_to(ext_ref[pl.ds(h, 1), :], (BLOCK_R, EXT2))
        p_ref[...] = pltpu.roll(ext_b, 0, axis=1, stride=1, stride_axis=0)

    q0 = pl.multiple_of(SEQ_LEN - ib * BLOCK_R, BLOCK_R)
    out_ref[0, 0] = p_ref[:, pl.ds(q0, 2 * SEQ_LEN)]


def kernel(sequence_length, table):
    del sequence_length
    bucket = jnp.asarray(_BUCKET)
    ext_qm = _sc_gather(bucket, table)
    out = pl.pallas_call(
        _tc_body,
        grid=(HEADS, SEQ_LEN // BLOCK_R),
        in_specs=[pl.BlockSpec((EXT2, HEADS), lambda h, ib: (0, 0))],
        out_specs=pl.BlockSpec(
            (1, 1, BLOCK_R, 2 * SEQ_LEN), lambda h, ib: (0, h, ib, 0)
        ),
        out_shape=jax.ShapeDtypeStruct(
            (1, HEADS, SEQ_LEN, 2 * SEQ_LEN), jnp.float32
        ),
        scratch_shapes=[
            pltpu.VMEM((HEADS, EXT2), jnp.float32),
            pltpu.VMEM((BLOCK_R, EXT2), jnp.float32),
        ],
    )(ext_qm)
    return out

# --- scband reference (transcript-rebuilt; emitter-appended) ---
"""Pipeline reference for scband-relative-position-62929860821181 (READ-ONLY COPY).

The authoritative reference and input builder live on the scoring server;
editing this copy changes nothing except your own understanding.
"""

import jax, jax.numpy as jnp
import numpy as np
import math

NUM_BUCKETS = 32
RP_MAX_DISTANCE = 128
HEADS = 16
RP_SCALE = 0.125
SEQ_LEN = 2048


def setup_inputs(seed: int = 0) -> dict:
    key = jax.random.key(seed)
    table = jax.random.normal(key, (NUM_BUCKETS, HEADS), dtype=jnp.float32)
    return {"sequence_length": SEQ_LEN, "table": table}


def _relative_position_bucket(rel_pos):
    n = jnp.maximum(-rel_pos, jnp.zeros_like(rel_pos))
    max_exact = NUM_BUCKETS // 2
    is_small = n < max_exact
    # guard log(0); masked out by is_small anyway
    nf = jnp.maximum(n, 1).astype(jnp.float32)
    val_if_large = max_exact + (
        jnp.log(nf / max_exact) / math.log(RP_MAX_DISTANCE / max_exact) * (NUM_BUCKETS - max_exact)
    ).astype(n.dtype)
    val_if_large = jnp.minimum(val_if_large, jnp.full_like(val_if_large, NUM_BUCKETS - 1))
    return jnp.where(is_small, n, val_if_large)


def reference(sequence_length, table):
    length_offset = (jnp.asarray(sequence_length, dtype=jnp.int32) - SEQ_LEN)
    sequence_pos = jnp.arange(SEQ_LEN, dtype=jnp.int32) + length_offset
    context_pos = jnp.arange(2 * SEQ_LEN, dtype=jnp.int32) + length_offset
    rel_pos = context_pos[None, :] - sequence_pos[:, None]  # (L, 2L)
    bucket_idx = _relative_position_bucket(rel_pos)
    rp_values = jnp.take(table, bucket_idx, axis=0)  # (L, 2L, H) embedding gather
    rp_values = jnp.transpose(rp_values, (2, 0, 1))[None, ...]  # (1, H, L, 2L)
    return rp_values * RP_SCALE

if __name__ == "__main__":
    import jax
    _d = setup_inputs()
    print(jax.jit(kernel)(*tuple(_d.values())))

</pallas_src>

<mosaic_0001>
#map = affine_map<(d0, d1) -> (0)>
#map1 = affine_map<(d0, d1) -> (0, 0)>
module attributes {stable_mosaic.version = 14 : i64} {
  func.func @_sc_gather(%arg0: i32, %arg1: i32, %arg2: memref<6400xi32, #tpu.memory_space<hbm>>, %arg3: memref<32x16xf32, #tpu.memory_space<hbm>>, %arg4: memref<6400x16xf32, #tpu.memory_space<hbm>>, %arg5: memref<200xi32, #tpu.memory_space<vmem>>, %arg6: memref<200x16xf32, #tpu.memory_space<vmem>>, %arg7: memref<!tpu.dma_semaphore, #tpu.memory_space<semaphore_mem>>) attributes {dimension_semantics = [#tpu.dimension_semantics<core_parallel>, #tpu.dimension_semantics<subcore_parallel>], iteration_bounds = array<i64: 2, 16>, scalar_prefetch = 0 : i64, scratch_operands = 3 : i64, tpu.core_type = #tpu.core_type<sc_vector_subcore>, window_params = [{transform_indices = #map}, {transform_indices = #map1}, {transform_indices = #map1}]} {
    %mul3A = arith.constant 2 : i32
    %mul3A_0 = arith.muli %arg1, %mul3A : i32
    %add3A = arith.addi %mul3A_0, %arg0 : i32
    %mul3A_1 = arith.constant 200 : i32
    %mul3A_2 = arith.muli %add3A, %mul3A_1 : i32
    "tpu.region"() ({
      %run_scoped3A = tpu.sem_alloc : memref<!tpu.dma_semaphore, #tpu.memory_space<semaphore_mem>>
      %dma_start3A_7 = tpu.memref_slice %arg2[%mul3A_2] : memref<6400xi32, #tpu.memory_space<hbm>> -> memref<200xi32, #tpu.memory_space<hbm>>
      %dma_start3A_8 = tpu.memref_slice %arg2[%mul3A_2] : memref<6400xi32, #tpu.memory_space<hbm>> -> memref<200xi32, #tpu.memory_space<hbm>>
      tpu.enqueue_dma source(%dma_start3A_8 : memref<200xi32, #tpu.memory_space<hbm>>) target(%arg5 : memref<200xi32, #tpu.memory_space<vmem>>) target_semaphore(%run_scoped3A : memref<!tpu.dma_semaphore, #tpu.memory_space<semaphore_mem>>)
      %dma_wait3A_9 = tpu.memref_slice %arg2[%mul3A_2] : memref<6400xi32, #tpu.memory_space<hbm>> -> memref<200xi32, #tpu.memory_space<hbm>>
      %dma_wait3A_10 = tpu.memref_slice %arg2[%mul3A_2] : memref<6400xi32, #tpu.memory_space<hbm>> -> memref<200xi32, #tpu.memory_space<hbm>>
      tpu.wait_dma2 semaphore(%run_scoped3A : memref<!tpu.dma_semaphore, #tpu.memory_space<semaphore_mem>>) src(%dma_wait3A_10 : memref<200xi32, #tpu.memory_space<hbm>>) dst(%arg5 : memref<200xi32, #tpu.memory_space<vmem>>)
      tpu.yield
    }) : () -> ()
    %dma_start3A = arith.constant 0 : i32
    %dma_start3A_3 = arith.constant 0 : i32
    %dma_start3A_4 = tpu.memref_slice %arg3[%dma_start3A, %dma_start3A_3] : memref<32x16xf32, #tpu.memory_space<hbm>> -> memref<32x16xf32, #tpu.memory_space<hbm>>
    tpu.enqueue_indirect_dma source(%dma_start3A_4 : memref<32x16xf32, #tpu.memory_space<hbm>>) target(%arg6 : memref<200x16xf32, #tpu.memory_space<vmem>>) offsets(%arg5 : memref<200xi32, #tpu.memory_space<vmem>>) semaphore(%arg7 : memref<!tpu.dma_semaphore, #tpu.memory_space<semaphore_mem>>)
    %dma_wait3A = arith.constant 0 : i32
    %dma_wait3A_5 = arith.constant 0 : i32
    %dma_wait3A_6 = tpu.memref_slice %arg3[%dma_wait3A, %dma_wait3A_5] : memref<32x16xf32, #tpu.memory_space<hbm>> -> memref<32x16xf32, #tpu.memory_space<hbm>>
    tpu.wait_indirect_dma semaphore(%arg7 : memref<!tpu.dma_semaphore, #tpu.memory_space<semaphore_mem>>) src(%dma_wait3A_6 : memref<32x16xf32, #tpu.memory_space<hbm>>) dst(%arg6 : memref<200x16xf32, #tpu.memory_space<vmem>>)
    "tpu.region"() ({
      %run_scoped3A = tpu.sem_alloc : memref<!tpu.dma_semaphore, #tpu.memory_space<semaphore_mem>>
      %dma_start3A_7 = arith.constant 0 : i32
      %dma_start3A_8 = tpu.memref_slice %arg4[%mul3A_2, %dma_start3A_7] : memref<6400x16xf32, #tpu.memory_space<hbm>> -> memref<200x16xf32, #tpu.memory_space<hbm>>
      %dma_start3A_9 = arith.constant 0 : i32
      %dma_start3A_10 = tpu.memref_slice %arg4[%mul3A_2, %dma_start3A_9] : memref<6400x16xf32, #tpu.memory_space<hbm>> -> memref<200x16xf32, #tpu.memory_space<hbm>>
      tpu.enqueue_dma source(%arg6 : memref<200x16xf32, #tpu.memory_space<vmem>>) target(%dma_start3A_10 : memref<200x16xf32, #tpu.memory_space<hbm>>) target_semaphore(%run_scoped3A : memref<!tpu.dma_semaphore, #tpu.memory_space<semaphore_mem>>)
      %dma_wait3A_11 = arith.constant 0 : i32
      %dma_wait3A_12 = tpu.memref_slice %arg4[%mul3A_2, %dma_wait3A_11] : memref<6400x16xf32, #tpu.memory_space<hbm>> -> memref<200x16xf32, #tpu.memory_space<hbm>>
      %dma_wait3A_13 = arith.constant 0 : i32
      %dma_wait3A_14 = tpu.memref_slice %arg4[%mul3A_2, %dma_wait3A_13] : memref<6400x16xf32, #tpu.memory_space<hbm>> -> memref<200x16xf32, #tpu.memory_space<hbm>>
      tpu.wait_dma2 semaphore(%run_scoped3A : memref<!tpu.dma_semaphore, #tpu.memory_space<semaphore_mem>>) src(%arg6 : memref<200x16xf32, #tpu.memory_space<vmem>>) dst(%dma_wait3A_14 : memref<200x16xf32, #tpu.memory_space<hbm>>)
      tpu.yield
    }) : () -> ()
    return
  }
}

module attributes {stable_mosaic.version = 14 : i64} {
  func.func @_tc_body(%arg0: i32, %arg1: i32, %arg2: memref<6400x16xf32, #tpu.memory_space<vmem>>, %arg3: memref<1x1x512x4096xf32, #tpu.memory_space<vmem>>, %arg4: memref<16x6400xf32, #tpu.memory_space<vmem>>, %arg5: memref<512x6400xf32, #tpu.memory_space<vmem>>) attributes {dimension_semantics = [#tpu.dimension_semantics<arbitrary>, #tpu.dimension_semantics<arbitrary>], iteration_bounds = array<i64: 16, 4>, scalar_prefetch = 0 : i64, scratch_operands = 2 : i64, tpu.core_type = #tpu.core_type<tc>, window_params = [{pipeline_mode = #tpu.pipeline_mode<synchronous>, transform_indices = @transform_0, window_bounds = array<i64: 6400, 16>}, {transform_indices = @transform_1, window_bounds = array<i64: 1, 1, 512, 4096>}]} {
    %eq3A = arith.constant 0 : i32
    %eq3A_0 = arith.cmpi eq, %arg0, %eq3A : i32
    %eq3A_1 = arith.constant 0 : i32
    %eq3A_2 = arith.cmpi eq, %arg1, %eq3A_1 : i32
    %and3A = arith.andi %eq3A_0, %eq3A_2 : i1
    %convert_element_type3A = arith.extui %and3A : i1 to i32
    %cond3A = arith.constant 0 : i32
    %cond3A_3 = arith.cmpi ne, %convert_element_type3A, %cond3A : i32
    scf.if %cond3A_3 {
      %get3A_19 = arith.constant 0 : index
      %get3A_20 = arith.constant 0 : index
      %get3A_21 = vector.load %arg2[%get3A_19, %get3A_20] : memref<6400x16xf32, #tpu.memory_space<vmem>>, vector<6400x16xf32>
      %transpose3A = tpu.transpose %get3A_21, [1, 0] : vector<6400x16xf32> -> vector<16x6400xf32>
      %mul3A_22 = arith.constant 1.250000e-01 : f32
      %mul3A_23 = vector.broadcast %mul3A_22 : f32 to vector<16x6400xf32>
      %mul3A_24 = arith.mulf %transpose3A, %mul3A_23 : vector<16x6400xf32>
      %swap3A_25 = arith.constant 0 : index
      %swap3A_26 = arith.constant 0 : index
      %swap3A_27 = vector.load %arg4[%swap3A_25, %swap3A_26] : memref<16x6400xf32, #tpu.memory_space<vmem>>, vector<16x6400xf32>
      tpu.vector_store %arg4[%swap3A_25, %swap3A_26], %mul3A_24 {strides = array<i32>} : memref<16x6400xf32, #tpu.memory_space<vmem>>, vector<16x6400xf32>,
    } else {
    }
    %eq3A_4 = arith.constant 0 : i32
    %eq3A_5 = arith.cmpi eq, %arg1, %eq3A_4 : i32
    %convert_element_type3A_6 = arith.extui %eq3A_5 : i1 to i32
    %cond3A_7 = arith.constant 0 : i32
    %cond3A_8 = arith.cmpi ne, %convert_element_type3A_6, %cond3A_7 : i32
    scf.if %cond3A_8 {
      %get3A_19 = arith.index_cast %arg0 : i32 to index
      %get3A_20 = arith.constant 0 : index
      %get3A_21 = vector.load %arg4[%get3A_19, %get3A_20] : memref<16x6400xf32, #tpu.memory_space<vmem>>, vector<1x6400xf32>
      %broadcast_in_dim3A = vector.shape_cast %get3A_21 : vector<1x6400xf32> to vector<1x6400xf32>
      %broadcast_in_dim3A_22 = vector.broadcast %broadcast_in_dim3A : vector<1x6400xf32> to vector<512x6400xf32>
      %roll3A = arith.constant 0 : i32
      %roll3A_23 = tpu.dynamic_rotate %broadcast_in_dim3A_22 by %roll3A dim 1 {stride = 1 : si32, stride_dimension = 0 : si32} : vector<512x6400xf32>, i32 -> vector<512x6400xf32>
      %swap3A_24 = arith.constant 0 : index
      %swap3A_25 = arith.constant 0 : index
      %swap3A_26 = vector.load %arg5[%swap3A_24, %swap3A_25] : memref<512x6400xf32, #tpu.memory_space<vmem>>, vector<512x6400xf32>
      tpu.vector_store %arg5[%swap3A_24, %swap3A_25], %roll3A_23 {strides = array<i32>} : memref<512x6400xf32, #tpu.memory_space<vmem>>, vector<512x6400xf32>,
    } else {
    }
    %mul3A = arith.constant 512 : i32
    %mul3A_9 = arith.muli %arg1, %mul3A : i32
    %sub3A = arith.constant 2048 : i32
    %sub3A_10 = arith.subi %sub3A, %mul3A_9 : i32
    %multiple_of3A = tpu.assume_multiple %sub3A_10, 512 : i32
    %get3A = arith.constant 0 : index
    %get3A_11 = arith.index_cast %multiple_of3A : i32 to index
    %get3A_12 = vector.load %arg5[%get3A, %get3A_11] : memref<512x6400xf32, #tpu.memory_space<vmem>>, vector<512x4096xf32>
    %swap3A = arith.constant 0 : index
    %swap3A_13 = arith.constant 0 : index
    %swap3A_14 = arith.constant 0 : index
    %swap3A_15 = arith.constant 0 : index
    %swap3A_16 = vector.load %arg3[%swap3A, %swap3A_13, %swap3A_14, %swap3A_15] : memref<1x1x512x4096xf32, #tpu.memory_space<vmem>>, vector<1x1x512x4096xf32>
    %swap3A_17 = vector.shape_cast %swap3A_16 : vector<1x1x512x4096xf32> to vector<512x4096xf32>
    %swap3A_18 = vector.shape_cast %get3A_12 : vector<512x4096xf32> to vector<1x1x512x4096xf32>
    tpu.vector_store %arg3[%swap3A, %swap3A_13, %swap3A_14, %swap3A_15], %swap3A_18 {strides = array<i32>} : memref<1x1x512x4096xf32, #tpu.memory_space<vmem>>, vector<1x1x512x4096xf32>,
    return
  }
  func.func @transform_0(%arg0: i32, %arg1: i32) -> (i32, i32) {
    %c0_i32 = arith.constant 0 : i32
    %c0_i32_0 = arith.constant 0 : i32
    %c0_i32_1 = arith.constant 0 : i32
    return %c0_i32, %c0_i32_0 : i32, i32
  }
  func.func @transform_1(%arg0: i32, %arg1: i32) -> (i32, i32, i32, i32) {
    %c0_i32 = arith.constant 0 : i32
    %c0_i32_0 = arith.constant 0 : i32
    %c0_i32_1 = arith.constant 0 : i32
    return %c0_i32, %arg0, %arg1, %c0_i32_0 : i32, i32, i32, i32
  }
}

</mosaic_0001>

<sc_bundles>
// kernel: kernel.4.cloned.1.call-start
scs
__scs_entry_jumppad:
0x0: {  	(pc) =	sbr.rel $0x88, $3  }
0x1: {  	(tag) =	ssettag $0x0;
	lr =	simm.s32 $0x1  }
0x2: {  	[smem:$0x3FA0] =	sst lr;
	_ =	strace $0xD0000000  }
0x3: {  	_ = 	snop  }
0x4: {  	_ = 	snop  }
0x5: {  	_ = 	snop  }
0x6: {  	_ = 	snop  }
0x7: {  	_ = 	snop  }
__scs_overlays_trampoline_lowered:
0x8: {  	[smem:$0x3FAF] =	sst s0  }
0x9: {  	[smem:$0x3FB0] =	sst s1  }
0xa: {  	[smem:$0x3FB1] =	sst s2  }
0xb: {  	[smem:$0x3FB2] =	sst s3  }
0xc: {  	[smem:$0x3FB3] =	sst s4  }
0xd: {  	[smem:$0x3FB4] =	sst s5  }
0xe: {  	[smem:$0x3FB5] =	sst s6  }
0xf: {  	[smem:$0x3FB6] =	sst s7  }
0x10: {  	[smem:$0x3FB7] =	sst s8  }
0x11: {  	[smem:$0x3FB8] =	sst s9;
	s0 =	simm.s32 @!p0 $0x0  }
0x12: {  	s1 =	sld [smem:$0x3F9E];
	s0 =	simm.s32 @p0 $0x1  }
0x13: {  	[smem:$0x3FB9] =	sst s0;
	s0 =	simm.s32 @!p1 $0x0  }
0x14: {  	s2 =	sld [smem:$0x3F9D];
	s0 =	simm.s32 @p1 $0x1  }
0x15: {  	[smem:$0x3FBA] =	sst s0;
	s0 =	simm.s32 @!p2 $0x0  }
0x16: {  	s3 =	sld [smem:$0x3FDB];
	s0 =	simm.s32 @p2 $0x1  }
0x17: {  	s4 =	simm.s32 $0x1BF5;
	[smem:$0x3FBC] =	sst s0  }
0x18: {  	s0 =	sld [smem:$0x3F9F];
	_ =	swait.ge [sflag:s4], $0x0  }
0x19: {  	s7 =	sld [smem:$0x3FA0]  }
0x1a: {  	s8 =	sadd.s32 $0xFFFFE003, lr  }
0x1b: {  	s9 =	sadd.s32 $0xFFFFFEF7, lr;
	s5 =	simm.s32 $0xFFFFFFFF;
	p2 =	slt.u32 s8, $0xFFFFF086  }
0x1c: {  	p1 =	slt.u32 s9, $0xF7A;
	s5 =	simm.s32 @!p2 $0x0  }
0x1d: {  	s5 =	simm.s32 @p1 $0x1;
	p0 =	seq.s32 s7, s2  }
0x1e: {  	s7 =	smul.u32 @!p0 $0xF7A, s2;
	p2 =	seq.s32 @!p0 s5, $0x0  }
0x1f: {  	s9 =	smul.u32 $0xF7A, s1;
	s8 =	simm.s32 @!p0 $0x1BF5;
	p2 =	por !p2, p0  }
0x20: {  	[sflag:s8] =	ssyncset.s32 @!p0 $0xFFFFF086;
	s6 =	sadd.s32 @!p0 s3, s7;
	s7 =	simm.s32 @!p0 $0x108  }
0x21: {  	s3 =	sadd.s32 s3, s9;
	s6 =	sadd.s32 @!p0 $0x88, s6;
	s7 =	simm.s32 @p2 $0x1082  }
0x22: {  	[simem:s7], [sflag:s8] =	dma.local @!p0 [hbm:s6], $0xF7A  }
0x23: {  	s9 =	sor.u32 $0xD0000000, s2;
	s6 =	simm.s32 $0x108;
	_ =	swait.ge @!p0 [sflag:s8], $0x0  }
0x24: {  	s3 =	sadd.s32 $0x88, s3;
	s6 =	simm.s32 @!p1 $0x1082;
	[sflag:s4] =	ssyncset.s32 $0xFFFFF086  }
0x25: {  	[simem:s6], [sflag:s4] =	dma.local [hbm:s3], $0xF7A  }
0x26: {  	[smem:$0x3FA0] =	sst s1;
	(tag) =	ssettag s2;
	_ =	strace s9  }
0x27: {  	s1 =	sld [smem:$0x3FB0]  }
0x28: {  	s2 =	sld [smem:$0x3FB1]  }
0x29: {  	s4 =	sld [smem:$0x3FB3]  }
0x2a: {  	p0 =	seq.s32 s5, $0x0;
	s5 =	sld [smem:$0x3FB4]  }
0x2b: {  	s6 =	sld [smem:$0x3FB5]  }
0x2c: {  	s7 =	sld [smem:$0x3FB6]  }
0x2d: {  	s3 =	simm.s32 $0x108;
	s8 =	sld [smem:$0x3FB7]  }
0x2e: {  	s3 =	simm.s32 @!p0 $0x1082;
	s9 =	sld [smem:$0x3FB8]  }
0x2f: {  	lr =	sadd.s32 s0, s3;
	s0 =	sld [smem:$0x3FAF]  }
0x30: {  	s3 =	sld [smem:$0x3FB2]  }
0x31: {  	[smem:$0x3FBB] =	sst s10  }
0x32: {  	s10 =	sld [smem:$0x3FB9];
	_ =	sdelay $0x3  }
0x33: {  	p0 =	seq.s32 s10, $0x1;
	s10 =	sld [smem:$0x3FBB];
	_ =	sdelay $0x3  }
0x34: {  	[smem:$0x3FBB] =	sst s10  }
0x35: {  	s10 =	sld [smem:$0x3FBA];
	_ =	sdelay $0x3  }
0x36: {  	p1 =	seq.s32 s10, $0x1;
	s10 =	sld [smem:$0x3FBB];
	_ =	sdelay $0x3  }
0x37: {  	[smem:$0x3FBB] =	sst s10  }
0x38: {  	s10 =	sld [smem:$0x3FBC]  }
0x39: {  	_ = 	snop;
	(pc) =	sbr.ind lr, $3  }
0x3a: {  	_ = 	snop  }
0x3b: {  	_ = 	snop  }
0x3c: {  	p2 =	seq.s32 s10, $0x1;
	s10 =	sld [smem:$0x3FBB]  }
0x3d: {  	_ =	shalt  }
0x3e: {  	_ =	shalt  }
0x3f: {  	_ =	shalt  }
0x40: {  	_ =	shalt  }
0x41: {  	_ =	shalt  }
0x42: {  	_ =	shalt  }
0x43: {  	_ =	shalt  }
0x44: {  	_ =	shalt  }
0x45: {  	_ =	shalt  }
0x46: {  	_ =	shalt  }
0x47: {  	_ =	shalt  }
0x48: {  	_ =	shalt  }
0x49: {  	_ =	shalt  }
0x4a: {  	_ =	shalt  }
0x4b: {  	_ =	shalt  }
0x4c: {  	_ =	shalt  }
0x4d: {  	_ =	shalt  }
0x4e: {  	_ =	shalt  }
0x4f: {  	_ =	shalt  }
0x50: {  	_ =	shalt  }
0x51: {  	_ =	shalt  }
0x52: {  	_ =	shalt  }
0x53: {  	_ =	shalt  }
0x54: {  	_ =	shalt  }
0x55: {  	_ =	shalt  }
0x56: {  	_ =	shalt  }
0x57: {  	_ =	shalt  }
0x58: {  	_ =	shalt  }
0x59: {  	_ =	shalt  }
0x5a: {  	_ =	shalt  }
0x5b: {  	_ =	shalt  }
0x5c: {  	_ =	shalt  }
0x5d: {  	_ =	shalt  }
0x5e: {  	_ =	shalt  }
0x5f: {  	_ =	shalt  }
0x60: {  	_ =	shalt  }
0x61: {  	_ =	shalt  }
0x62: {  	_ =	shalt  }
0x63: {  	_ =	shalt  }
0x64: {  	_ =	shalt  }
0x65: {  	_ =	shalt  }
0x66: {  	_ =	shalt  }
0x67: {  	_ =	shalt  }
0x68: {  	_ =	shalt  }
0x69: {  	_ =	shalt  }
0x6a: {  	_ =	shalt  }
0x6b: {  	_ =	shalt  }
0x6c: {  	_ =	shalt  }
0x6d: {  	_ =	shalt  }
0x6e: {  	_ =	shalt  }
0x6f: {  	_ =	shalt  }
0x70: {  	_ =	shalt  }
0x71: {  	_ =	shalt  }
0x72: {  	_ =	shalt  }
0x73: {  	_ =	shalt  }
0x74: {  	_ =	shalt  }
0x75: {  	_ =	shalt  }
0x76: {  	_ =	shalt  }
0x77: {  	_ =	shalt  }
0x78: {  	_ =	shalt  }
0x79: {  	_ =	shalt  }
0x7a: {  	_ =	shalt  }
0x7b: {  	_ =	shalt  }
0x7c: {  	_ =	shalt  }
0x7d: {  	_ =	shalt  }
0x7e: {  	_ =	shalt  }
0x7f: {  	_ =	shalt  }
0x80: {  	_ =	shalt  }
0x81: {  	_ =	shalt  }
0x82: {  	_ =	shalt  }
0x83: {  	_ =	shalt  }
0x84: {  	_ =	shalt  }
0x85: {  	_ =	shalt  }
0x86: {  	_ =	shalt  }
0x87: {  	_ =	shalt  }
.Lfunc_end0:
.L_simem_size_0:
called_computation_lowered:
.L_overlay_start_0:
0x88: {  	s2 =	sld [smem:$0x3FD9]  }
0x89: {  	s3 =	sld [smem:$0x3FFE];
	_ =	sdelay $0x1  }
0x8a: {  	s1 =	srdreg.scid  }
0x8b: {  	s0 =	sand.u32 $0x1, s1  }
0x8c: {  	s17 =	sshll.u32 s0, $0xA;
	s2 =	sadd.s32 s3, s2  }
0x8d: {  	s2 =	sadd.s32 s2, s17  }
0x8e: {  	[smem:$0x3FC7] =	sst s2  }
0x8f: {  	_ = 	snop  }
0x90: {  	s2 =	sld [smem:$0x3FD0];
	(tm) =	ssettm $0x1  }
0x91: {  	s18 =	sld [smem:$0x3FFB];
	_ =	sdelay $0x3  }
0x92: {  	_ =	strace s18  }
0x93: {  	s3 =	sld [smem:$0x3FFC];
	_ =	sdelay $0x3  }
0x94: {  	_ =	strace s3  }
0x95: {  	s3 =	sld [smem:$0x3FFD];
	_ =	sdelay $0x3  }
0x96: {  	_ =	strace s3  }
0x97: {  	_ =	strace $0x8FFFFFFF  }
0x98: {  	s19 =	sld [smem:$0x3FDB];
	_ =	sdelay $0x1  }
0x99: {  	s4 =	simm.s32 $_scs_section_size  }
0x9a: {  	s5 =	simm.s32 $_size__tile_overlayer_lowered;
	s6 =	simm.s32 $_tile_overlayer_lowered  }
0x9b: {  	s22 =	simm.s32 $0x1BFF;
	s21 =	sshll.u32 s6, $0x1;
	s3 =	sadd.s32 s4, s19  }
0x9c: {  	s7 =	simm.s32 $0x0;
	s20 =	sshll.u32 s5, $0x1;
	s5 =	sadd.s32 s21, s3  }
0x9d: {  	[timem:s7], [sflag:s22] =	dma.local [hbm:s5], s20  }
0x9e: {  	_ =	swait.ge [sflag:s22], s20  }
0x9f: {  	s4 =	ssub.s32 $0x0, s20;
	[sflag:s22] =	ssyncset.done $0x0  }
0xa0: {  	[sflag:s22] =	ssyncadd.s32 s4;
	_ =	sdelay $0x1  }
0xa1: {  	s23 =	simm.s32 $0x1B8B  }
0xa2: {  	_ =	swait.ge [sflag:s23], $0x1  }
0xa3: {  	[sflag:s23] =	ssyncset.done $0x0  }
0xa4: {  	s25 =	simm.s32 $0x1B8E;
	s24 =	sld [smem:$0x3FFE];
	[sflag:s23] =	ssyncadd.s32 $0xFFFFFFFF  }
0xa5: {  	s26 =	simm.s32 $execute0_lowered;
	[smem:$0x3FD2] =	sst s25  }
0xa6: {  	s5 =	sshll.u32 s26, $0x1;
	_ =	strace $0x80000046;
	[dreg:$0x1] =	wrdreg $0xFFFFFFFF  }
0xa7: {  	s28 =	simm.s32 $_size_execute0_lowered;
	s3 =	sadd.s32 s3, s5;
	[dreg:$0x0] =	wrdreg $0x0  }
0xa8: {  	s5 =	sshll.u32 s28, $0x1;
	[dreg:$0x2] =	wrdreg s3  }
0xa9: {  	[dreg:$0x3] =	wrdreg s5  }
0xaa: {  	[dreg:$0x4] =	wrdreg $0xC0  }
0xab: {  	_ =	task [dreg:s7], $0x5FFFF  }
0xac: {  	[dreg:$0x1] =	wrdreg $0xFFFFFFFF  }
0xad: {  	[dreg:$0x0] =	wrdreg $0x60  }
0xae: {  	[dreg:$0x2] =	wrdreg s24  }
0xaf: {  	[dreg:$0x3] =	wrdreg s2  }
0xb0: {  	[dreg:$0x4] =	wrdreg $0x9  }
0xb1: {  	_ =	task.clear_ibuf [dreg:s7], $0x5FFFF;
	_ =	strace $0x90000046  }
0xb2: {  	s29 =	simm.s32 $0x9;
	_ =	strace $0x80000048  }
0xb3: {  	_ =	swait.ge [sflag:s29], $0x1  }
0xb4: {  	[sflag:s29] =	ssyncadd.s32 $0xFFFFFFFF  }
0xb5: {  	_ =	strace $0x90000048  }
0xb6: {  	_ =	sfence  }
0xb7: {  	s30 =	sld [smem:$0x0];
	_ =	sdelay $0x2  }
0xb8: {  	s31 =	sshll.u32 s1, $0xD;
	s1 =	sshrl.u32 s1, $0x2  }
0xb9: {  	s3 =	sand.u32 $0x4000, s31;
	s1 =	sadd.s32 s1, s30  }
0xba: {  	s0 =	sor.u32 s3, s0;
	s1 =	sshll.u32 s1, $0x11  }
0xbb: {  	s0 =	sor.u32 s1, s0  }
0xbc: {  	s0 =	sadd.s32 $0x8F2B, s0  }
0xbd: {  	[sflag:s0] =	ssyncadd.remote.s32 $0x1  }
0xbe: {  	_ =	sfence.sel $0xFFFF  }
0xbf: {  	[dreg:$0x0] =	wrdreg $0xFFFFFFFF;
	(pc) =	sbr.abs _section_cstart, $3  }
0xc0: {  	[dreg:$0x1] =	wrdreg $0xFFFFFFFF  }
0xc1: {  	_ =	task.clear_ibuf [dreg:s7], $0x2FFFF;
	_ =	strace $0x9FFFFFFF  }
0xc2: {  	(tm) =	ssettm $0x7FFFFFFF  }
0xc3: {  	_ =	shalt  }
tec
execute0_lowered:
.L_overlay_start_1:
0x0: {  	(tag) =	ssettag $0x1  }
0x1: {  	s1 =	srdreg.scid;
	s0 =	stileid.u32  }
0x2: {  	s6 =	sand.u32 $0x1, s1;
	s30 =	sshll.u32 s0, $0x1  }
0x3: {  	s5 =	rddreg [dreg:$0x0];
	s8 =	sor.u32 s6, s30  }
0x4: {  	s9 =	rddreg [dreg:$0x1];
	s2 =	simm.s32 $0x0;
	s3 =	smul.u32 $0x19, s8  }
0x5: {  	[smem:$0x7FF] =	sst s2  }
0x6: {  	s1 =	rddreg [dreg:$0x2];
	_ =	strace $0x80000047;
	s3 =	sadd.s32 s3, s5  }
0x7: {  	s10 =	ssub.s32 $0x2, s6;
	s4 =	sadd.s32 $0x600, s3;
	s3 =	simm.s32 $0x2  }
0x8: {  	[tilespmem:s2], [sflag:$0x2] =	stream.linear.gather [hbm4b:s4+s2], $0xC8, $0x38;
	[tilespmem:$0xD48] =	vst v63  }
0x9: {  	s7 =	simm.s32 $0x1;
	s11 =	sshrl.u32 s10, $0x1;
	_ =	swait.ge [sflag:s3], $0xC8  }
0xa: {  	s6 =	simm.s32 $0xC8;
	s10 =	ssub.s32 s10, s11;
	[sflag:s3] =	ssyncset.done $0x0  }
0xb: {  	s5 =	sadd.s32 $0x400, s5;
	s31 =	smax.u32 s10, $0x1;
	[sflag:s3] =	ssyncadd.s32 $0xFFFFFF38  }
0xc: {  	[tilespmem:s6], [sflag:$0x1] =	stream.indirect.gather [hbm4b:s5+s6], $0x10, s2, s6, $0xb8;
	[tilespmem:$0xD48] =	vst v63  }
0xd: {  	s8 =	smul.u32 $0x190, s8;
	p0 =	sne.s32 s31, $0x1;
	_ =	swait.ge [sflag:s7], $0xC80  }
.Ltmp0:
0xe: {  	[sflag:s7] =	ssyncset.done $0x0;
	(pc) =	sbr.rel @!p0 .LBB2_2-.Ltmp0, $4  }
0xf: {  	s8 =	sadd.s32 s9, s8;
	[sflag:s7] =	ssyncadd.s32 $0xFFFFF380  }
0x10: {  	[hbm4b:s8+s2] =	stream.linear.scatter [tilespmem:s6], [sflag:$0x2], $0xC80, $0x38;
	[tilespmem:$0xD48] =	vst v63  }
0x11: {  	_ =	swait.ge [sflag:s3], $0xC80  }
0x12: {  	s9 =	sadd.s32 $0xFFFFFFFF, s31;
	[sflag:s3] =	ssyncset.done $0x0  }
.LBB2_1:
0x13: {  	p0 =	sne.s32 s9, $0x1;
	s9 =	sadd.s32 $0xFFFFFFFF, s9;
	[sflag:s3] =	ssyncadd.s32 $0xFFFFF380  }
0x14: {  	[tilespmem:s2], [sflag:$0x2] =	stream.linear.gather [hbm4b:s4+s2], $0xC8, $0x38;
	[tilespmem:$0xD48] =	vst v63  }
0x15: {  	_ =	swait.ge [sflag:s3], $0xC8  }
0x16: {  	[sflag:s3] =	ssyncset.done $0x0  }
0x17: {  	[sflag:s3] =	ssyncadd.s32 $0xFFFFFF38  }
0x18: {  	[tilespmem:s6], [sflag:$0x1] =	stream.indirect.gather [hbm4b:s5+s6], $0x10, s2, s6, $0xb8;
	[tilespmem:$0xD48] =	vst v63  }
0x19: {  	_ =	swait.ge [sflag:s7], $0xC80  }
.Ltmp1:
0x1a: {  	[sflag:s7] =	ssyncset.done $0x0;
	(pc) =	sbr.rel @p0 .LBB2_1-.Ltmp1, $4  }
0x1b: {  	[sflag:s7] =	ssyncadd.s32 $0xFFFFF380  }
0x1c: {  	[hbm4b:s8+s2] =	stream.linear.scatter [tilespmem:s6], [sflag:$0x2], $0xC80, $0x38;
	[tilespmem:$0xD48] =	vst v63  }
0x1d: {  	_ =	swait.ge [sflag:s3], $0xC80  }
0x1e: {  	[sflag:s3] =	ssyncset.done $0x0  }
.LBB2_2:
0x1f: {  	[sflag:s3] =	ssyncadd.s32 $0xFFFFF380  }
0x20: {  	_ =	sfence.sel $0x180000  }
0x21: {  	[bflag:$0x0] =	sbarrier.arrive $0xFFFF  }
0x22: {  	p0 =	sne.s32 s0, $0x0;
	_ =	strace $0x90000047  }
0x23: {  	s0 =	sadd.s32 @!p0 $0x100000, s1;
	[bflag:$0x2] =	sbarrier.arrive $0xFFFF  }
0x24: {  	[sflag:s0] =	ssyncadd.tile.s32 @!p0 $0x1;
	_ =	shalt  }
.Lfunc_end2:
_tile_overlayer_lowered:
.L_overlay_start_2:
0x25: {  	(tag) =	ssettag $0x2  }
0x26: {  	s0 =	rddreg [dreg:$0x0];
	s2 =	stileid.u32  }
0x27: {  	s1 =	rddreg [dreg:$0x1];
	p0 =	sne.s32 s2, $0x0  }
0x28: {  	s3 =	rddreg [dreg:$0x2];
	[bflag:$0x3] =	sbarrier.arrive $0xFFFF;
	s2 =	simm.s32 @!p0 $0x1C02  }
0x29: {  	[timem:s3], [sflag:s2] =	dma.local @!p0 [hbm:s0], s1  }
0x2a: {  	s0 =	simm.s32 @!p0 $0x2  }
0x2b: {  	_ =	swait.ge @!p0 [sflag:s0], s1  }
0x2c: {  	s1 =	ssub.s32 @!p0 $0x0, s1;
	[sflag:s0] =	ssyncset.done @!p0 $0x0  }
0x2d: {  	[sflag:s0] =	ssyncadd.s32 @!p0 s1  }
0x2e: {  	[bflag:$0x3] =	sbarrier.arrive $0xFFFF  }
0x2f: {  	_ =	shalt  }

</sc_bundles>
